<compile_context>
chip_gen: v7x
topology: tpu7x:2x2x1
jax: 0.10.2.dev20260603
libtpu: 0.0.44.dev20260713+nightly
codegen_flags: <defaults>
</compile_context>

<pallas_src>
import functools

import jax
import jax.numpy as jnp
from jax import lax
from jax.experimental import pallas as pl
from jax.experimental.pallas import tpu as pltpu
from jax.experimental.pallas import tpu_sc as plsc

E = 320000
N = 10000
D = 128

_NC, _NS = 2, 16
_NW = _NC * _NS
_CPT = 80
_EP = _NW * _CPT * 128
_CHUNKS = _EP // 128


_BLK = 2560


_GRID_E = E // _BLK
_GRID = _GRID_E + (_EP - E) // _BLK


def _mlp_body(b2_ref, f_ref, v_ref, w1_ref, b1_ref, w2_ref, out_ref):
    i = pl.program_id(0)
    f = f_ref[...].astype(jnp.bfloat16)
    w1 = w1_ref[...].astype(jnp.bfloat16)
    h = jnp.dot(f, w1, preferred_element_type=jnp.float32) + b1_ref[...]
    h = (h * jax.nn.sigmoid(h)).astype(jnp.bfloat16)
    o8 = jnp.dot(h, w2_ref[...].astype(jnp.bfloat16),
                 preferred_element_type=jnp.float32) + b2_ref[0]
    v8 = jnp.concatenate(
        [v_ref[...], jnp.zeros((_BLK, 5), jnp.float32)], axis=1)
    out = o8 * v8
    out_ref[...] = jnp.where(i < _GRID_E, out, 0.0)


def _edge_mlp(forces, V_st, W1, b1r, w2r, b2):
    clamp = lambda i: (jnp.minimum(i, _GRID_E - 1), 0)
    return pl.pallas_call(
        _mlp_body,
        grid=_GRID,
        in_specs=[
            pl.BlockSpec(memory_space=pltpu.SMEM),
            pl.BlockSpec((_BLK, D), clamp),
            pl.BlockSpec((_BLK, 3), clamp),
            pl.BlockSpec((D, D), lambda i: (0, 0)),
            pl.BlockSpec((1, D), lambda i: (0, 0)),
            pl.BlockSpec((D, 8), lambda i: (0, 0)),
        ],
        out_specs=pl.BlockSpec((_BLK, 8), lambda i: (i, 0)),
        out_shape=jax.ShapeDtypeStruct((_EP, 8), jnp.float32),
        compiler_params=pltpu.CompilerParams(
            dimension_semantics=("arbitrary",)),
    )(b2, forces, V_st, W1, b1r, w2r)



_sc_mesh = plsc.VectorSubcoreMesh(
    core_axis_name="c", subcore_axis_name="s",
    num_cores=_NC, num_subcores=_NS)


@functools.partial(
    pl.kernel,
    mesh=_sc_mesh,
    out_type=jax.ShapeDtypeStruct((_NC, N, 8), jnp.float32),
    scratch_types=[
        pltpu.VMEM((_CPT, 128), jnp.int32),
        pltpu.VMEM((_CPT * 128, 8), jnp.float32),
        pltpu.VMEM_SHARED((N, 8), jnp.float32),
        pltpu.SemaphoreType.DMA,
    ],
    compiler_params=pltpu.CompilerParams(use_tc_tiling_on_sc=False),
)
def _sc_scatter(vals_hbm, idx_hbm, zeros_hbm, out_hbm, idx_v, vals_v, acc, sem):
    cid = lax.axis_index("c")
    sid = lax.axis_index("s")
    wid = cid * _NS + sid

    @pl.when(sid == 0)
    def _():
        pltpu.sync_copy(zeros_hbm, acc)

    pltpu.sync_copy(idx_hbm.at[pl.ds(wid * _CPT, _CPT)], idx_v)
    pltpu.sync_copy(vals_hbm.at[pl.ds(wid * (_CPT * 128), _CPT * 128)], vals_v)

    plsc.subcore_barrier()

    K = 8

    def body(g, carry):
        descs = []
        for k in range(K):
            j = g * K + k
            descs.append(pltpu.async_copy(
                vals_v.at[pl.ds(j * 128, 128)],
                acc.at[idx_v.at[j]], sem, add=True))
        for d in descs:
            d.wait()
        return carry

    lax.fori_loop(0, _CPT // K, body, 0)

    plsc.subcore_barrier()

    @pl.when(sid == 0)
    def _():
        pltpu.sync_copy(acc, out_hbm.at[cid])



def kernel(forces, V_st, idx_t, atomic_numbers, W1, b1, W2, b2):
    vals = _edge_mlp(forces, V_st, W1,
                     b1.reshape(1, D), jnp.tile(W2, (1, 8)),
                     b2.astype(jnp.float32))
    idx2d = jnp.concatenate(
        [idx_t.astype(jnp.int32), jnp.zeros((_EP - E,), jnp.int32)]
    ).reshape(_CHUNKS, 128)
    zeros = jnp.zeros((N, 8), jnp.float32)
    parts = _sc_scatter(vals, idx2d, zeros)
    return (parts[0] + parts[1])[:, :3]

# --- scband reference (transcript-rebuilt; emitter-appended) ---
"""Pipeline reference for scband-node-vector-output-head-4114578669769 (READ-ONLY COPY).

The authoritative reference and input builder live on the scoring server;
editing this copy changes nothing except your own understanding.
"""

import jax, jax.numpy as jnp
import numpy as np

E = 320000
N = 10000
D = 128

def setup_inputs(seed: int = 0) -> dict:
    key = jax.random.key(seed)
    k1, k2, k3, k4, k5, k6 = jax.random.split(key, 6)
    forces = jax.random.normal(k1, (E, D), dtype=jnp.float32)
    V_st = jax.random.normal(k2, (E, 3), dtype=jnp.float32)
    idx_t = jax.random.randint(k3, (E,), 0, N)
    atomic_numbers = jax.random.randint(k4, (N,), 0, 100)
    # MLP params: layers [emb_size_edge]*num_mlps + [num_targets] = [128, 128, 1]
    W1 = jax.random.normal(k5, (D, D), dtype=jnp.float32) * (1.0 / np.sqrt(D))
    b1 = jnp.zeros((D,), dtype=jnp.float32)
    W2 = jax.random.normal(k6, (D, 1), dtype=jnp.float32) * (1.0 / np.sqrt(D))
    b2 = jnp.zeros((1,), dtype=jnp.float32)
    return {"forces": forces, "V_st": V_st, "idx_t": idx_t,
            "atomic_numbers": atomic_numbers, "W1": W1, "b1": b1, "W2": W2, "b2": b2}

def reference(forces, V_st, idx_t, atomic_numbers, W1, b1, W2, b2):
    n_atoms = atomic_numbers.shape[0]
    # out_mlp: Linear(128,128) + SiLU + Linear(128,1)
    h = jax.nn.silu(forces @ W1 + b1)
    out = h @ W2 + b2            # [E, 1]
    out = out * V_st             # [E, 3] broadcast over last dim
    # scatter(..., reduce='sum') over destination node index
    node_out = jax.ops.segment_sum(out, idx_t, num_segments=n_atoms)  # [N, 3]
    return node_out

if __name__ == "__main__":
    import jax
    _d = setup_inputs()
    print(jax.jit(kernel)(*tuple(_d.values())))

</pallas_src>

<mosaic_0001>
#map = affine_map<(d0, d1) -> (0, 0)>
#map1 = affine_map<(d0, d1) -> (0, 0, 0)>
module attributes {stable_mosaic.version = 14 : i64} {
  func.func @_sc_scatter(%arg0: i32, %arg1: i32, %arg2: memref<327680x8xf32, #tpu.memory_space<hbm>>, %arg3: memref<2560x128xi32, #tpu.memory_space<hbm>>, %arg4: memref<10000x8xf32, #tpu.memory_space<hbm>>, %arg5: memref<2x10000x8xf32, #tpu.memory_space<hbm>>, %arg6: memref<80x128xi32, #tpu.memory_space<vmem>>, %arg7: memref<10240x8xf32, #tpu.memory_space<vmem>>, %arg8: memref<10000x8xf32, #tpu.memory_space<vmem_shared>>, %arg9: memref<!tpu.dma_semaphore, #tpu.memory_space<semaphore_mem>>) attributes {dimension_semantics = [#tpu.dimension_semantics<core_parallel>, #tpu.dimension_semantics<subcore_parallel>], iteration_bounds = array<i64: 2, 16>, scalar_prefetch = 0 : i64, scratch_operands = 4 : i64, tpu.core_type = #tpu.core_type<sc_vector_subcore>, window_params = [{transform_indices = #map}, {transform_indices = #map}, {transform_indices = #map}, {transform_indices = #map1}]} {
    %mul3A = arith.constant 16 : i32
    %mul3A_0 = arith.muli %arg0, %mul3A : i32
    %add3A = arith.addi %mul3A_0, %arg1 : i32
    %eq3A = arith.constant 0 : i32
    %eq3A_1 = arith.cmpi eq, %arg1, %eq3A : i32
    %convert_element_type3A = arith.extui %eq3A_1 : i1 to i32
    %cond3A = arith.constant 0 : i32
    %cond3A_2 = arith.cmpi ne, %convert_element_type3A, %cond3A : i32
    scf.if %cond3A_2 {
      "tpu.region"() ({
        %run_scoped3A = tpu.sem_alloc : memref<!tpu.dma_semaphore, #tpu.memory_space<semaphore_mem>>
        tpu.enqueue_dma source(%arg4 : memref<10000x8xf32, #tpu.memory_space<hbm>>) target(%arg8 : memref<10000x8xf32, #tpu.memory_space<vmem_shared>>) target_semaphore(%run_scoped3A : memref<!tpu.dma_semaphore, #tpu.memory_space<semaphore_mem>>)
        tpu.wait_dma2 semaphore(%run_scoped3A : memref<!tpu.dma_semaphore, #tpu.memory_space<semaphore_mem>>) src(%arg4 : memref<10000x8xf32, #tpu.memory_space<hbm>>) dst(%arg8 : memref<10000x8xf32, #tpu.memory_space<vmem_shared>>)
        tpu.yield
      }) : () -> ()
    } else {
    }
    %mul3A_3 = arith.constant 80 : i32
    %mul3A_4 = arith.muli %add3A, %mul3A_3 : i32
    "tpu.region"() ({
      %run_scoped3A = tpu.sem_alloc : memref<!tpu.dma_semaphore, #tpu.memory_space<semaphore_mem>>
      %dma_start3A = arith.constant 0 : i32
      %dma_start3A_18 = tpu.memref_slice %arg3[%mul3A_4, %dma_start3A] : memref<2560x128xi32, #tpu.memory_space<hbm>> -> memref<80x128xi32, #tpu.memory_space<hbm>>
      %dma_start3A_19 = arith.constant 0 : i32
      %dma_start3A_20 = tpu.memref_slice %arg3[%mul3A_4, %dma_start3A_19] : memref<2560x128xi32, #tpu.memory_space<hbm>> -> memref<80x128xi32, #tpu.memory_space<hbm>>
      tpu.enqueue_dma source(%dma_start3A_20 : memref<80x128xi32, #tpu.memory_space<hbm>>) target(%arg6 : memref<80x128xi32, #tpu.memory_space<vmem>>) target_semaphore(%run_scoped3A : memref<!tpu.dma_semaphore, #tpu.memory_space<semaphore_mem>>)
      %dma_wait3A = arith.constant 0 : i32
      %dma_wait3A_21 = tpu.memref_slice %arg3[%mul3A_4, %dma_wait3A] : memref<2560x128xi32, #tpu.memory_space<hbm>> -> memref<80x128xi32, #tpu.memory_space<hbm>>
      %dma_wait3A_22 = arith.constant 0 : i32
      %dma_wait3A_23 = tpu.memref_slice %arg3[%mul3A_4, %dma_wait3A_22] : memref<2560x128xi32, #tpu.memory_space<hbm>> -> memref<80x128xi32, #tpu.memory_space<hbm>>
      tpu.wait_dma2 semaphore(%run_scoped3A : memref<!tpu.dma_semaphore, #tpu.memory_space<semaphore_mem>>) src(%dma_wait3A_23 : memref<80x128xi32, #tpu.memory_space<hbm>>) dst(%arg6 : memref<80x128xi32, #tpu.memory_space<vmem>>)
      tpu.yield
    }) : () -> ()
    %mul3A_5 = arith.constant 10240 : i32
    %mul3A_6 = arith.muli %add3A, %mul3A_5 : i32
    "tpu.region"() ({
      %run_scoped3A = tpu.sem_alloc : memref<!tpu.dma_semaphore, #tpu.memory_space<semaphore_mem>>
      %dma_start3A = arith.constant 0 : i32
      %dma_start3A_18 = tpu.memref_slice %arg2[%mul3A_6, %dma_start3A] : memref<327680x8xf32, #tpu.memory_space<hbm>> -> memref<10240x8xf32, #tpu.memory_space<hbm>>
      %dma_start3A_19 = arith.constant 0 : i32
      %dma_start3A_20 = tpu.memref_slice %arg2[%mul3A_6, %dma_start3A_19] : memref<327680x8xf32, #tpu.memory_space<hbm>> -> memref<10240x8xf32, #tpu.memory_space<hbm>>
      tpu.enqueue_dma source(%dma_start3A_20 : memref<10240x8xf32, #tpu.memory_space<hbm>>) target(%arg7 : memref<10240x8xf32, #tpu.memory_space<vmem>>) target_semaphore(%run_scoped3A : memref<!tpu.dma_semaphore, #tpu.memory_space<semaphore_mem>>)
      %dma_wait3A = arith.constant 0 : i32
      %dma_wait3A_21 = tpu.memref_slice %arg2[%mul3A_6, %dma_wait3A] : memref<327680x8xf32, #tpu.memory_space<hbm>> -> memref<10240x8xf32, #tpu.memory_space<hbm>>
      %dma_wait3A_22 = arith.constant 0 : i32
      %dma_wait3A_23 = tpu.memref_slice %arg2[%mul3A_6, %dma_wait3A_22] : memref<327680x8xf32, #tpu.memory_space<hbm>> -> memref<10240x8xf32, #tpu.memory_space<hbm>>
      tpu.wait_dma2 semaphore(%run_scoped3A : memref<!tpu.dma_semaphore, #tpu.memory_space<semaphore_mem>>) src(%dma_wait3A_23 : memref<10240x8xf32, #tpu.memory_space<hbm>>) dst(%arg7 : memref<10240x8xf32, #tpu.memory_space<vmem>>)
      tpu.yield
    }) : () -> ()
    %barrier3A = arith.constant 0 : index
    tpu.barrier barrier_id(%barrier3A)
    %scan3A = arith.constant 0 : i32
    %scan3A_7 = arith.constant 0 : i32
    %scan3A_8 = arith.constant 10 : i32
    %scan3A_9 = arith.addi %scan3A_7, %scan3A_8 : i32
    %scan3A_10 = arith.constant 1 : i32
    scf.for %scan3A_18 = %scan3A_7 to %scan3A_9 step %scan3A_10  : i32 {
      %mul3A_19 = arith.constant 8 : i32
      %mul3A_20 = arith.muli %scan3A_18, %mul3A_19 : i32
      %add3A_21 = arith.constant 0 : i32
      %add3A_22 = arith.addi %mul3A_20, %add3A_21 : i32
      %mul3A_23 = arith.constant 128 : i32
      %mul3A_24 = arith.muli %add3A_22, %mul3A_23 : i32
      %dma_start3A = arith.constant 0 : i32
      %dma_start3A_25 = tpu.memref_slice %arg7[%mul3A_24, %dma_start3A] : memref<10240x8xf32, #tpu.memory_space<vmem>> -> memref<128x8xf32, #tpu.memory_space<vmem>>
      %dma_start3A_26 = arith.constant 0 : i32
      %dma_start3A_27 = tpu.memref_slice %arg6[%add3A_22, %dma_start3A_26] : memref<80x128xi32, #tpu.memory_space<vmem>> -> memref<1x128xi32, #tpu.memory_space<vmem>>
      %dma_start3A_28 = tpu.memref_squeeze %dma_start3A_27 : memref<1x128xi32, #tpu.memory_space<vmem>> -> memref<128xi32, #tpu.memory_space<vmem>>
      %dma_start3A_29 = arith.constant 0 : i32
      %dma_start3A_30 = arith.constant 0 : i32
      %dma_start3A_31 = tpu.memref_slice %arg8[%dma_start3A_29, %dma_start3A_30] : memref<10000x8xf32, #tpu.memory_space<vmem_shared>> -> memref<10000x8xf32, #tpu.memory_space<vmem_shared>>
      tpu.enqueue_indirect_dma source(%dma_start3A_25 : memref<128x8xf32, #tpu.memory_space<vmem>>) target(%dma_start3A_31 : memref<10000x8xf32, #tpu.memory_space<vmem_shared>>) offsets(%dma_start3A_28 : memref<128xi32, #tpu.memory_space<vmem>>) semaphore(%arg9 : memref<!tpu.dma_semaphore, #tpu.memory_space<semaphore_mem>>) {add = true}
      %mul3A_32 = arith.constant 8 : i32
      %mul3A_33 = arith.muli %scan3A_18, %mul3A_32 : i32
      %add3A_34 = arith.constant 1 : i32
      %add3A_35 = arith.addi %mul3A_33, %add3A_34 : i32
      %mul3A_36 = arith.constant 128 : i32
      %mul3A_37 = arith.muli %add3A_35, %mul3A_36 : i32
      %dma_start3A_38 = arith.constant 0 : i32
      %dma_start3A_39 = tpu.memref_slice %arg7[%mul3A_37, %dma_start3A_38] : memref<10240x8xf32, #tpu.memory_space<vmem>> -> memref<128x8xf32, #tpu.memory_space<vmem>>
      %dma_start3A_40 = arith.constant 0 : i32
      %dma_start3A_41 = tpu.memref_slice %arg6[%add3A_35, %dma_start3A_40] : memref<80x128xi32, #tpu.memory_space<vmem>> -> memref<1x128xi32, #tpu.memory_space<vmem>>
      %dma_start3A_42 = tpu.memref_squeeze %dma_start3A_41 : memref<1x128xi32, #tpu.memory_space<vmem>> -> memref<128xi32, #tpu.memory_space<vmem>>
      %dma_start3A_43 = arith.constant 0 : i32
      %dma_start3A_44 = arith.constant 0 : i32
      %dma_start3A_45 = tpu.memref_slice %arg8[%dma_start3A_43, %dma_start3A_44] : memref<10000x8xf32, #tpu.memory_space<vmem_shared>> -> memref<10000x8xf32, #tpu.memory_space<vmem_shared>>
      tpu.enqueue_indirect_dma source(%dma_start3A_39 : memref<128x8xf32, #tpu.memory_space<vmem>>) target(%dma_start3A_45 : memref<10000x8xf32, #tpu.memory_space<vmem_shared>>) offsets(%dma_start3A_42 : memref<128xi32, #tpu.memory_space<vmem>>) semaphore(%arg9 : memref<!tpu.dma_semaphore, #tpu.memory_space<semaphore_mem>>) {add = true}
      %mul3A_46 = arith.constant 8 : i32
      %mul3A_47 = arith.muli %scan3A_18, %mul3A_46 : i32
      %add3A_48 = arith.constant 2 : i32
      %add3A_49 = arith.addi %mul3A_47, %add3A_48 : i32
      %mul3A_50 = arith.constant 128 : i32
      %mul3A_51 = arith.muli %add3A_49, %mul3A_50 : i32
      %dma_start3A_52 = arith.constant 0 : i32
      %dma_start3A_53 = tpu.memref_slice %arg7[%mul3A_51, %dma_start3A_52] : memref<10240x8xf32, #tpu.memory_space<vmem>> -> memref<128x8xf32, #tpu.memory_space<vmem>>
      %dma_start3A_54 = arith.constant 0 : i32
      %dma_start3A_55 = tpu.memref_slice %arg6[%add3A_49, %dma_start3A_54] : memref<80x128xi32, #tpu.memory_space<vmem>> -> memref<1x128xi32, #tpu.memory_space<vmem>>
      %dma_start3A_56 = tpu.memref_squeeze %dma_start3A_55 : memref<1x128xi32, #tpu.memory_space<vmem>> -> memref<128xi32, #tpu.memory_space<vmem>>
      %dma_start3A_57 = arith.constant 0 : i32
      %dma_start3A_58 = arith.constant 0 : i32
      %dma_start3A_59 = tpu.memref_slice %arg8[%dma_start3A_57, %dma_start3A_58] : memref<10000x8xf32, #tpu.memory_space<vmem_shared>> -> memref<10000x8xf32, #tpu.memory_space<vmem_shared>>
      tpu.enqueue_indirect_dma source(%dma_start3A_53 : memref<128x8xf32, #tpu.memory_space<vmem>>) target(%dma_start3A_59 : memref<10000x8xf32, #tpu.memory_space<vmem_shared>>) offsets(%dma_start3A_56 : memref<128xi32, #tpu.memory_space<vmem>>) semaphore(%arg9 : memref<!tpu.dma_semaphore, #tpu.memory_space<semaphore_mem>>) {add = true}
      %mul3A_60 = arith.constant 8 : i32
      %mul3A_61 = arith.muli %scan3A_18, %mul3A_60 : i32
      %add3A_62 = arith.constant 3 : i32
      %add3A_63 = arith.addi %mul3A_61, %add3A_62 : i32
      %mul3A_64 = arith.constant 128 : i32
      %mul3A_65 = arith.muli %add3A_63, %mul3A_64 : i32
      %dma_start3A_66 = arith.constant 0 : i32
      %dma_start3A_67 = tpu.memref_slice %arg7[%mul3A_65, %dma_start3A_66] : memref<10240x8xf32, #tpu.memory_space<vmem>> -> memref<128x8xf32, #tpu.memory_space<vmem>>
      %dma_start3A_68 = arith.constant 0 : i32
      %dma_start3A_69 = tpu.memref_slice %arg6[%add3A_63, %dma_start3A_68] : memref<80x128xi32, #tpu.memory_space<vmem>> -> memref<1x128xi32, #tpu.memory_space<vmem>>
      %dma_start3A_70 = tpu.memref_squeeze %dma_start3A_69 : memref<1x128xi32, #tpu.memory_space<vmem>> -> memref<128xi32, #tpu.memory_space<vmem>>
      %dma_start3A_71 = arith.constant 0 : i32
      %dma_start3A_72 = arith.constant 0 : i32
      %dma_start3A_73 = tpu.memref_slice %arg8[%dma_start3A_71, %dma_start3A_72] : memref<10000x8xf32, #tpu.memory_space<vmem_shared>> -> memref<10000x8xf32, #tpu.memory_space<vmem_shared>>
      tpu.enqueue_indirect_dma source(%dma_start3A_67 : memref<128x8xf32, #tpu.memory_space<vmem>>) target(%dma_start3A_73 : memref<10000x8xf32, #tpu.memory_space<vmem_shared>>) offsets(%dma_start3A_70 : memref<128xi32, #tpu.memory_space<vmem>>) semaphore(%arg9 : memref<!tpu.dma_semaphore, #tpu.memory_space<semaphore_mem>>) {add = true}
      %mul3A_74 = arith.constant 8 : i32
      %mul3A_75 = arith.muli %scan3A_18, %mul3A_74 : i32
      %add3A_76 = arith.constant 4 : i32
      %add3A_77 = arith.addi %mul3A_75, %add3A_76 : i32
      %mul3A_78 = arith.constant 128 : i32
      %mul3A_79 = arith.muli %add3A_77, %mul3A_78 : i32
      %dma_start3A_80 = arith.constant 0 : i32
      %dma_start3A_81 = tpu.memref_slice %arg7[%mul3A_79, %dma_start3A_80] : memref<10240x8xf32, #tpu.memory_space<vmem>> -> memref<128x8xf32, #tpu.memory_space<vmem>>
      %dma_start3A_82 = arith.constant 0 : i32
      %dma_start3A_83 = tpu.memref_slice %arg6[%add3A_77, %dma_start3A_82] : memref<80x128xi32, #tpu.memory_space<vmem>> -> memref<1x128xi32, #tpu.memory_space<vmem>>
      %dma_start3A_84 = tpu.memref_squeeze %dma_start3A_83 : memref<1x128xi32, #tpu.memory_space<vmem>> -> memref<128xi32, #tpu.memory_space<vmem>>
      %dma_start3A_85 = arith.constant 0 : i32
      %dma_start3A_86 = arith.constant 0 : i32
      %dma_start3A_87 = tpu.memref_slice %arg8[%dma_start3A_85, %dma_start3A_86] : memref<10000x8xf32, #tpu.memory_space<vmem_shared>> -> memref<10000x8xf32, #tpu.memory_space<vmem_shared>>
      tpu.enqueue_indirect_dma source(%dma_start3A_81 : memref<128x8xf32, #tpu.memory_space<vmem>>) target(%dma_start3A_87 : memref<10000x8xf32, #tpu.memory_space<vmem_shared>>) offsets(%dma_start3A_84 : memref<128xi32, #tpu.memory_space<vmem>>) semaphore(%arg9 : memref<!tpu.dma_semaphore, #tpu.memory_space<semaphore_mem>>) {add = true}
      %mul3A_88 = arith.constant 8 : i32
      %mul3A_89 = arith.muli %scan3A_18, %mul3A_88 : i32
      %add3A_90 = arith.constant 5 : i32
      %add3A_91 = arith.addi %mul3A_89, %add3A_90 : i32
      %mul3A_92 = arith.constant 128 : i32
      %mul3A_93 = arith.muli %add3A_91, %mul3A_92 : i32
      %dma_start3A_94 = arith.constant 0 : i32
      %dma_start3A_95 = tpu.memref_slice %arg7[%mul3A_93, %dma_start3A_94] : memref<10240x8xf32, #tpu.memory_space<vmem>> -> memref<128x8xf32, #tpu.memory_space<vmem>>
      %dma_start3A_96 = arith.constant 0 : i32
      %dma_start3A_97 = tpu.memref_slice %arg6[%add3A_91, %dma_start3A_96] : memref<80x128xi32, #tpu.memory_space<vmem>> -> memref<1x128xi32, #tpu.memory_space<vmem>>
      %dma_start3A_98 = tpu.memref_squeeze %dma_start3A_97 : memref<1x128xi32, #tpu.memory_space<vmem>> -> memref<128xi32, #tpu.memory_space<vmem>>
      %dma_start3A_99 = arith.constant 0 : i32
      %dma_start3A_100 = arith.constant 0 : i32
      %dma_start3A_101 = tpu.memref_slice %arg8[%dma_start3A_99, %dma_start3A_100] : memref<10000x8xf32, #tpu.memory_space<vmem_shared>> -> memref<10000x8xf32, #tpu.memory_space<vmem_shared>>
      tpu.enqueue_indirect_dma source(%dma_start3A_95 : memref<128x8xf32, #tpu.memory_space<vmem>>) target(%dma_start3A_101 : memref<10000x8xf32, #tpu.memory_space<vmem_shared>>) offsets(%dma_start3A_98 : memref<128xi32, #tpu.memory_space<vmem>>) semaphore(%arg9 : memref<!tpu.dma_semaphore, #tpu.memory_space<semaphore_mem>>) {add = true}
      %mul3A_102 = arith.constant 8 : i32
      %mul3A_103 = arith.muli %scan3A_18, %mul3A_102 : i32
      %add3A_104 = arith.constant 6 : i32
      %add3A_105 = arith.addi %mul3A_103, %add3A_104 : i32
      %mul3A_106 = arith.constant 128 : i32
      %mul3A_107 = arith.muli %add3A_105, %mul3A_106 : i32
      %dma_start3A_108 = arith.constant 0 : i32
      %dma_start3A_109 = tpu.memref_slice %arg7[%mul3A_107, %dma_start3A_108] : memref<10240x8xf32, #tpu.memory_space<vmem>> -> memref<128x8xf32, #tpu.memory_space<vmem>>
      %dma_start3A_110 = arith.constant 0 : i32
      %dma_start3A_111 = tpu.memref_slice %arg6[%add3A_105, %dma_start3A_110] : memref<80x128xi32, #tpu.memory_space<vmem>> -> memref<1x128xi32, #tpu.memory_space<vmem>>
      %dma_start3A_112 = tpu.memref_squeeze %dma_start3A_111 : memref<1x128xi32, #tpu.memory_space<vmem>> -> memref<128xi32, #tpu.memory_space<vmem>>
      %dma_start3A_113 = arith.constant 0 : i32
      %dma_start3A_114 = arith.constant 0 : i32
      %dma_start3A_115 = tpu.memref_slice %arg8[%dma_start3A_113, %dma_start3A_114] : memref<10000x8xf32, #tpu.memory_space<vmem_shared>> -> memref<10000x8xf32, #tpu.memory_space<vmem_shared>>
      tpu.enqueue_indirect_dma source(%dma_start3A_109 : memref<128x8xf32, #tpu.memory_space<vmem>>) target(%dma_start3A_115 : memref<10000x8xf32, #tpu.memory_space<vmem_shared>>) offsets(%dma_start3A_112 : memref<128xi32, #tpu.memory_space<vmem>>) semaphore(%arg9 : memref<!tpu.dma_semaphore, #tpu.memory_space<semaphore_mem>>) {add = true}
      %mul3A_116 = arith.constant 8 : i32
      %mul3A_117 = arith.muli %scan3A_18, %mul3A_116 : i32
      %add3A_118 = arith.constant 7 : i32
      %add3A_119 = arith.addi %mul3A_117, %add3A_118 : i32
      %mul3A_120 = arith.constant 128 : i32
      %mul3A_121 = arith.muli %add3A_119, %mul3A_120 : i32
      %dma_start3A_122 = arith.constant 0 : i32
      %dma_start3A_123 = tpu.memref_slice %arg7[%mul3A_121, %dma_start3A_122] : memref<10240x8xf32, #tpu.memory_space<vmem>> -> memref<128x8xf32, #tpu.memory_space<vmem>>
      %dma_start3A_124 = arith.constant 0 : i32
      %dma_start3A_125 = tpu.memref_slice %arg6[%add3A_119, %dma_start3A_124] : memref<80x128xi32, #tpu.memory_space<vmem>> -> memref<1x128xi32, #tpu.memory_space<vmem>>
      %dma_start3A_126 = tpu.memref_squeeze %dma_start3A_125 : memref<1x128xi32, #tpu.memory_space<vmem>> -> memref<128xi32, #tpu.memory_space<vmem>>
      %dma_start3A_127 = arith.constant 0 : i32
      %dma_start3A_128 = arith.constant 0 : i32
      %dma_start3A_129 = tpu.memref_slice %arg8[%dma_start3A_127, %dma_start3A_128] : memref<10000x8xf32, #tpu.memory_space<vmem_shared>> -> memref<10000x8xf32, #tpu.memory_space<vmem_shared>>
      tpu.enqueue_indirect_dma source(%dma_start3A_123 : memref<128x8xf32, #tpu.memory_space<vmem>>) target(%dma_start3A_129 : memref<10000x8xf32, #tpu.memory_space<vmem_shared>>) offsets(%dma_start3A_126 : memref<128xi32, #tpu.memory_space<vmem>>) semaphore(%arg9 : memref<!tpu.dma_semaphore, #tpu.memory_space<semaphore_mem>>) {add = true}
      %dma_wait3A = arith.constant 0 : i32
      %dma_wait3A_130 = tpu.memref_slice %arg7[%mul3A_24, %dma_wait3A] : memref<10240x8xf32, #tpu.memory_space<vmem>> -> memref<128x8xf32, #tpu.memory_space<vmem>>
      %dma_wait3A_131 = arith.constant 0 : i32
      %dma_wait3A_132 = tpu.memref_slice %arg6[%add3A_22, %dma_wait3A_131] : memref<80x128xi32, #tpu.memory_space<vmem>> -> memref<1x128xi32, #tpu.memory_space<vmem>>
      %dma_wait3A_133 = tpu.memref_squeeze %dma_wait3A_132 : memref<1x128xi32, #tpu.memory_space<vmem>> -> memref<128xi32, #tpu.memory_space<vmem>>
      %dma_wait3A_134 = arith.constant 0 : i32
      %dma_wait3A_135 = arith.constant 0 : i32
      %dma_wait3A_136 = tpu.memref_slice %arg8[%dma_wait3A_134, %dma_wait3A_135] : memref<10000x8xf32, #tpu.memory_space<vmem_shared>> -> memref<10000x8xf32, #tpu.memory_space<vmem_shared>>
      tpu.wait_indirect_dma semaphore(%arg9 : memref<!tpu.dma_semaphore, #tpu.memory_space<semaphore_mem>>) src(%dma_wait3A_130 : memref<128x8xf32, #tpu.memory_space<vmem>>) dst(%dma_wait3A_136 : memref<10000x8xf32, #tpu.memory_space<vmem_shared>>)
      %dma_wait3A_137 = arith.constant 0 : i32
      %dma_wait3A_138 = tpu.memref_slice %arg7[%mul3A_37, %dma_wait3A_137] : memref<10240x8xf32, #tpu.memory_space<vmem>> -> memref<128x8xf32, #tpu.memory_space<vmem>>
      %dma_wait3A_139 = arith.constant 0 : i32
      %dma_wait3A_140 = tpu.memref_slice %arg6[%add3A_35, %dma_wait3A_139] : memref<80x128xi32, #tpu.memory_space<vmem>> -> memref<1x128xi32, #tpu.memory_space<vmem>>
      %dma_wait3A_141 = tpu.memref_squeeze %dma_wait3A_140 : memref<1x128xi32, #tpu.memory_space<vmem>> -> memref<128xi32, #tpu.memory_space<vmem>>
      %dma_wait3A_142 = arith.constant 0 : i32
      %dma_wait3A_143 = arith.constant 0 : i32
      %dma_wait3A_144 = tpu.memref_slice %arg8[%dma_wait3A_142, %dma_wait3A_143] : memref<10000x8xf32, #tpu.memory_space<vmem_shared>> -> memref<10000x8xf32, #tpu.memory_space<vmem_shared>>
      tpu.wait_indirect_dma semaphore(%arg9 : memref<!tpu.dma_semaphore, #tpu.memory_space<semaphore_mem>>) src(%dma_wait3A_138 : memref<128x8xf32, #tpu.memory_space<vmem>>) dst(%dma_wait3A_144 : memref<10000x8xf32, #tpu.memory_space<vmem_shared>>)
      %dma_wait3A_145 = arith.constant 0 : i32
      %dma_wait3A_146 = tpu.memref_slice %arg7[%mul3A_51, %dma_wait3A_145] : memref<10240x8xf32, #tpu.memory_space<vmem>> -> memref<128x8xf32, #tpu.memory_space<vmem>>
      %dma_wait3A_147 = arith.constant 0 : i32
      %dma_wait3A_148 = tpu.memref_slice %arg6[%add3A_49, %dma_wait3A_147] : memref<80x128xi32, #tpu.memory_space<vmem>> -> memref<1x128xi32, #tpu.memory_space<vmem>>
      %dma_wait3A_149 = tpu.memref_squeeze %dma_wait3A_148 : memref<1x128xi32, #tpu.memory_space<vmem>> -> memref<128xi32, #tpu.memory_space<vmem>>
      %dma_wait3A_150 = arith.constant 0 : i32
      %dma_wait3A_151 = arith.constant 0 : i32
      %dma_wait3A_152 = tpu.memref_slice %arg8[%dma_wait3A_150, %dma_wait3A_151] : memref<10000x8xf32, #tpu.memory_space<vmem_shared>> -> memref<10000x8xf32, #tpu.memory_space<vmem_shared>>
      tpu.wait_indirect_dma semaphore(%arg9 : memref<!tpu.dma_semaphore, #tpu.memory_space<semaphore_mem>>) src(%dma_wait3A_146 : memref<128x8xf32, #tpu.memory_space<vmem>>) dst(%dma_wait3A_152 : memref<10000x8xf32, #tpu.memory_space<vmem_shared>>)
      %dma_wait3A_153 = arith.constant 0 : i32
      %dma_wait3A_154 = tpu.memref_slice %arg7[%mul3A_65, %dma_wait3A_153] : memref<10240x8xf32, #tpu.memory_space<vmem>> -> memref<128x8xf32, #tpu.memory_space<vmem>>
      %dma_wait3A_155 = arith.constant 0 : i32
      %dma_wait3A_156 = tpu.memref_slice %arg6[%add3A_63, %dma_wait3A_155] : memref<80x128xi32, #tpu.memory_space<vmem>> -> memref<1x128xi32, #tpu.memory_space<vmem>>
      %dma_wait3A_157 = tpu.memref_squeeze %dma_wait3A_156 : memref<1x128xi32, #tpu.memory_space<vmem>> -> memref<128xi32, #tpu.memory_space<vmem>>
      %dma_wait3A_158 = arith.constant 0 : i32
      %dma_wait3A_159 = arith.constant 0 : i32
      %dma_wait3A_160 = tpu.memref_slice %arg8[%dma_wait3A_158, %dma_wait3A_159] : memref<10000x8xf32, #tpu.memory_space<vmem_shared>> -> memref<10000x8xf32, #tpu.memory_space<vmem_shared>>
      tpu.wait_indirect_dma semaphore(%arg9 : memref<!tpu.dma_semaphore, #tpu.memory_space<semaphore_mem>>) src(%dma_wait3A_154 : memref<128x8xf32, #tpu.memory_space<vmem>>) dst(%dma_wait3A_160 : memref<10000x8xf32, #tpu.memory_space<vmem_shared>>)
      %dma_wait3A_161 = arith.constant 0 : i32
      %dma_wait3A_162 = tpu.memref_slice %arg7[%mul3A_79, %dma_wait3A_161] : memref<10240x8xf32, #tpu.memory_space<vmem>> -> memref<128x8xf32, #tpu.memory_space<vmem>>
      %dma_wait3A_163 = arith.constant 0 : i32
      %dma_wait3A_164 = tpu.memref_slice %arg6[%add3A_77, %dma_wait3A_163] : memref<80x128xi32, #tpu.memory_space<vmem>> -> memref<1x128xi32, #tpu.memory_space<vmem>>
      %dma_wait3A_165 = tpu.memref_squeeze %dma_wait3A_164 : memref<1x128xi32, #tpu.memory_space<vmem>> -> memref<128xi32, #tpu.memory_space<vmem>>
      %dma_wait3A_166 = arith.constant 0 : i32
      %dma_wait3A_167 = arith.constant 0 : i32
      %dma_wait3A_168 = tpu.memref_slice %arg8[%dma_wait3A_166, %dma_wait3A_167] : memref<10000x8xf32, #tpu.memory_space<vmem_shared>> -> memref<10000x8xf32, #tpu.memory_space<vmem_shared>>
      tpu.wait_indirect_dma semaphore(%arg9 : memref<!tpu.dma_semaphore, #tpu.memory_space<semaphore_mem>>) src(%dma_wait3A_162 : memref<128x8xf32, #tpu.memory_space<vmem>>) dst(%dma_wait3A_168 : memref<10000x8xf32, #tpu.memory_space<vmem_shared>>)
      %dma_wait3A_169 = arith.constant 0 : i32
      %dma_wait3A_170 = tpu.memref_slice %arg7[%mul3A_93, %dma_wait3A_169] : memref<10240x8xf32, #tpu.memory_space<vmem>> -> memref<128x8xf32, #tpu.memory_space<vmem>>
      %dma_wait3A_171 = arith.constant 0 : i32
      %dma_wait3A_172 = tpu.memref_slice %arg6[%add3A_91, %dma_wait3A_171] : memref<80x128xi32, #tpu.memory_space<vmem>> -> memref<1x128xi32, #tpu.memory_space<vmem>>
      %dma_wait3A_173 = tpu.memref_squeeze %dma_wait3A_172 : memref<1x128xi32, #tpu.memory_space<vmem>> -> memref<128xi32, #tpu.memory_space<vmem>>
      %dma_wait3A_174 = arith.constant 0 : i32
      %dma_wait3A_175 = arith.constant 0 : i32
      %dma_wait3A_176 = tpu.memref_slice %arg8[%dma_wait3A_174, %dma_wait3A_175] : memref<10000x8xf32, #tpu.memory_space<vmem_shared>> -> memref<10000x8xf32, #tpu.memory_space<vmem_shared>>
      tpu.wait_indirect_dma semaphore(%arg9 : memref<!tpu.dma_semaphore, #tpu.memory_space<semaphore_mem>>) src(%dma_wait3A_170 : memref<128x8xf32, #tpu.memory_space<vmem>>) dst(%dma_wait3A_176 : memref<10000x8xf32, #tpu.memory_space<vmem_shared>>)
      %dma_wait3A_177 = arith.constant 0 : i32
      %dma_wait3A_178 = tpu.memref_slice %arg7[%mul3A_107, %dma_wait3A_177] : memref<10240x8xf32, #tpu.memory_space<vmem>> -> memref<128x8xf32, #tpu.memory_space<vmem>>
      %dma_wait3A_179 = arith.constant 0 : i32
      %dma_wait3A_180 = tpu.memref_slice %arg6[%add3A_105, %dma_wait3A_179] : memref<80x128xi32, #tpu.memory_space<vmem>> -> memref<1x128xi32, #tpu.memory_space<vmem>>
      %dma_wait3A_181 = tpu.memref_squeeze %dma_wait3A_180 : memref<1x128xi32, #tpu.memory_space<vmem>> -> memref<128xi32, #tpu.memory_space<vmem>>
      %dma_wait3A_182 = arith.constant 0 : i32
      %dma_wait3A_183 = arith.constant 0 : i32
      %dma_wait3A_184 = tpu.memref_slice %arg8[%dma_wait3A_182, %dma_wait3A_183] : memref<10000x8xf32, #tpu.memory_space<vmem_shared>> -> memref<10000x8xf32, #tpu.memory_space<vmem_shared>>
      tpu.wait_indirect_dma semaphore(%arg9 : memref<!tpu.dma_semaphore, #tpu.memory_space<semaphore_mem>>) src(%dma_wait3A_178 : memref<128x8xf32, #tpu.memory_space<vmem>>) dst(%dma_wait3A_184 : memref<10000x8xf32, #tpu.memory_space<vmem_shared>>)
      %dma_wait3A_185 = arith.constant 0 : i32
      %dma_wait3A_186 = tpu.memref_slice %arg7[%mul3A_121, %dma_wait3A_185] : memref<10240x8xf32, #tpu.memory_space<vmem>> -> memref<128x8xf32, #tpu.memory_space<vmem>>
      %dma_wait3A_187 = arith.constant 0 : i32
      %dma_wait3A_188 = tpu.memref_slice %arg6[%add3A_119, %dma_wait3A_187] : memref<80x128xi32, #tpu.memory_space<vmem>> -> memref<1x128xi32, #tpu.memory_space<vmem>>
      %dma_wait3A_189 = tpu.memref_squeeze %dma_wait3A_188 : memref<1x128xi32, #tpu.memory_space<vmem>> -> memref<128xi32, #tpu.memory_space<vmem>>
      %dma_wait3A_190 = arith.constant 0 : i32
      %dma_wait3A_191 = arith.constant 0 : i32
      %dma_wait3A_192 = tpu.memref_slice %arg8[%dma_wait3A_190, %dma_wait3A_191] : memref<10000x8xf32, #tpu.memory_space<vmem_shared>> -> memref<10000x8xf32, #tpu.memory_space<vmem_shared>>
      tpu.wait_indirect_dma semaphore(%arg9 : memref<!tpu.dma_semaphore, #tpu.memory_space<semaphore_mem>>) src(%dma_wait3A_186 : memref<128x8xf32, #tpu.memory_space<vmem>>) dst(%dma_wait3A_192 : memref<10000x8xf32, #tpu.memory_space<vmem_shared>>)
    }
    %scan3A_11 = arith.constant 10 : i32
    %barrier3A_12 = arith.constant 0 : index
    tpu.barrier barrier_id(%barrier3A_12)
    %eq3A_13 = arith.constant 0 : i32
    %eq3A_14 = arith.cmpi eq, %arg1, %eq3A_13 : i32
    %convert_element_type3A_15 = arith.extui %eq3A_14 : i1 to i32
    %cond3A_16 = arith.constant 0 : i32
    %cond3A_17 = arith.cmpi ne, %convert_element_type3A_15, %cond3A_16 : i32
    scf.if %cond3A_17 {
      "tpu.region"() ({
        %run_scoped3A = tpu.sem_alloc : memref<!tpu.dma_semaphore, #tpu.memory_space<semaphore_mem>>
        %dma_start3A = arith.constant 0 : i32
        %dma_start3A_18 = arith.constant 0 : i32
        %dma_start3A_19 = tpu.memref_slice %arg5[%arg0, %dma_start3A, %dma_start3A_18] : memref<2x10000x8xf32, #tpu.memory_space<hbm>> -> memref<1x10000x8xf32, #tpu.memory_space<hbm>>
        %dma_start3A_20 = tpu.memref_squeeze %dma_start3A_19 : memref<1x10000x8xf32, #tpu.memory_space<hbm>> -> memref<10000x8xf32, #tpu.memory_space<hbm>>
        tpu.enqueue_dma source(%arg8 : memref<10000x8xf32, #tpu.memory_space<vmem_shared>>) target(%dma_start3A_20 : memref<10000x8xf32, #tpu.memory_space<hbm>>) target_semaphore(%run_scoped3A : memref<!tpu.dma_semaphore, #tpu.memory_space<semaphore_mem>>)
        %dma_wait3A = arith.constant 0 : i32
        %dma_wait3A_21 = arith.constant 0 : i32
        %dma_wait3A_22 = tpu.memref_slice %arg5[%arg0, %dma_wait3A, %dma_wait3A_21] : memref<2x10000x8xf32, #tpu.memory_space<hbm>> -> memref<1x10000x8xf32, #tpu.memory_space<hbm>>
        %dma_wait3A_23 = tpu.memref_squeeze %dma_wait3A_22 : memref<1x10000x8xf32, #tpu.memory_space<hbm>> -> memref<10000x8xf32, #tpu.memory_space<hbm>>
        tpu.wait_dma2 semaphore(%run_scoped3A : memref<!tpu.dma_semaphore, #tpu.memory_space<semaphore_mem>>) src(%arg8 : memref<10000x8xf32, #tpu.memory_space<vmem_shared>>) dst(%dma_wait3A_23 : memref<10000x8xf32, #tpu.memory_space<hbm>>)
        tpu.yield
      }) : () -> ()
    } else {
    }
    return
  }
}

module attributes {stable_mosaic.version = 14 : i64} {
  func.func @_mlp_body(%arg0: i32, %arg1: memref<1xf32, #tpu.memory_space<smem>>, %arg2: memref<2560x128xf32, #tpu.memory_space<vmem>>, %arg3: memref<2560x3xf32, #tpu.memory_space<vmem>>, %arg4: memref<128x128xf32, #tpu.memory_space<vmem>>, %arg5: memref<1x128xf32, #tpu.memory_space<vmem>>, %arg6: memref<128x8xf32, #tpu.memory_space<vmem>>, %arg7: memref<2560x8xf32, #tpu.memory_space<vmem>>) attributes {dimension_semantics = [#tpu.dimension_semantics<arbitrary>], iteration_bounds = array<i64: 128>, scalar_prefetch = 0 : i64, scratch_operands = 0 : i64, tpu.core_type = #tpu.core_type<tc>, window_params = [{transform_indices = @transform_0, window_bounds = array<i64: 1>}, {transform_indices = @transform_1, window_bounds = array<i64: 2560, 128>}, {transform_indices = @transform_2, window_bounds = array<i64: 2560, 3>}, {pipeline_mode = #tpu.pipeline_mode<synchronous>, transform_indices = @transform_3, window_bounds = array<i64: 128, 128>}, {pipeline_mode = #tpu.pipeline_mode<synchronous>, transform_indices = @transform_4, window_bounds = array<i64: 1, 128>}, {pipeline_mode = #tpu.pipeline_mode<synchronous>, transform_indices = @transform_5, window_bounds = array<i64: 128, 8>}, {transform_indices = @transform_6, window_bounds = array<i64: 2560, 8>}]} {
    %get3A = arith.constant 0 : index
    %get3A_0 = arith.constant 0 : index
    %get3A_1 = vector.load %arg2[%get3A, %get3A_0] : memref<2560x128xf32, #tpu.memory_space<vmem>>, vector<2560x128xf32>
    %convert_element_type3A = arith.truncf %get3A_1 : vector<2560x128xf32> to vector<2560x128xbf16>
    %get3A_2 = arith.constant 0 : index
    %get3A_3 = arith.constant 0 : index
    %get3A_4 = vector.load %arg4[%get3A_2, %get3A_3] : memref<128x128xf32, #tpu.memory_space<vmem>>, vector<128x128xf32>
    %convert_element_type3A_5 = arith.truncf %get3A_4 : vector<128x128xf32> to vector<128x128xbf16>
    %dot_general3A = arith.constant dense<0.000000e+00> : vector<2560x128xf32>
    %dot_general3A_6 = tpu.matmul %convert_element_type3A, %convert_element_type3A_5, %dot_general3A {dimension_numbers = #tpu.dot_dimension_numbers<[1], [0], [0], [1], [0, 0, 1, 1], [], []>, transpose_lhs_hint = false} : vector<2560x128xbf16>, vector<128x128xbf16>, vector<2560x128xf32> -> vector<2560x128xf32>
    %get3A_7 = arith.constant 0 : index
    %get3A_8 = arith.constant 0 : index
    %get3A_9 = vector.load %arg5[%get3A_7, %get3A_8] : memref<1x128xf32, #tpu.memory_space<vmem>>, vector<1x128xf32>
    %add3A = vector.broadcast %get3A_9 : vector<1x128xf32> to vector<2560x128xf32>
    %add3A_10 = arith.addf %dot_general3A_6, %add3A : vector<2560x128xf32>
    %logistic3A = arith.negf %add3A_10 : vector<2560x128xf32>
    %logistic3A_11 = math.exp %logistic3A : vector<2560x128xf32>
    %logistic3A_12 = arith.constant 1.000000e+00 : f32
    %logistic3A_13 = vector.broadcast %logistic3A_12 : f32 to vector<2560x128xf32>
    %logistic3A_14 = arith.addf %logistic3A_13, %logistic3A_11 : vector<2560x128xf32>
    %logistic3A_15 = arith.divf %logistic3A_13, %logistic3A_14 : vector<2560x128xf32>
    %mul3A = arith.mulf %add3A_10, %logistic3A_15 : vector<2560x128xf32>
    %convert_element_type3A_16 = arith.truncf %mul3A : vector<2560x128xf32> to vector<2560x128xbf16>
    %get3A_17 = arith.constant 0 : index
    %get3A_18 = arith.constant 0 : index
    %get3A_19 = vector.load %arg6[%get3A_17, %get3A_18] : memref<128x8xf32, #tpu.memory_space<vmem>>, vector<128x8xf32>
    %convert_element_type3A_20 = arith.truncf %get3A_19 : vector<128x8xf32> to vector<128x8xbf16>
    %dot_general3A_21 = arith.constant dense<0.000000e+00> : vector<2560x8xf32>
    %dot_general3A_22 = tpu.matmul %convert_element_type3A_16, %convert_element_type3A_20, %dot_general3A_21 {dimension_numbers = #tpu.dot_dimension_numbers<[1], [0], [0], [1], [0, 0, 1, 1], [], []>, transpose_lhs_hint = false} : vector<2560x128xbf16>, vector<128x8xbf16>, vector<2560x8xf32> -> vector<2560x8xf32>
    %get3A_23 = arith.constant 0 : index
    %get3A_24 = memref.load %arg1[%get3A_23] : memref<1xf32, #tpu.memory_space<smem>>
    %add3A_25 = vector.broadcast %get3A_24 : f32 to vector<2560x8xf32>
    %add3A_26 = arith.addf %dot_general3A_22, %add3A_25 : vector<2560x8xf32>
    %get3A_27 = arith.constant 0 : index
    %get3A_28 = arith.constant 0 : index
    %get3A_29 = vector.load %arg3[%get3A_27, %get3A_28] : memref<2560x3xf32, #tpu.memory_space<vmem>>, vector<2560x3xf32>
    %broadcast_in_dim3A = arith.constant 0.000000e+00 : f32
    %broadcast_in_dim3A_30 = vector.broadcast %broadcast_in_dim3A : f32 to vector<2560x5xf32>
    %concatenate3A = tpu.concatenate %get3A_29, %broadcast_in_dim3A_30 in 1 : vector<2560x3xf32>, vector<2560x5xf32> -> vector<2560x8xf32>
    %mul3A_31 = arith.mulf %add3A_26, %concatenate3A : vector<2560x8xf32>
    %lt3A = arith.constant 125 : i32
    %lt3A_32 = arith.cmpi slt, %arg0, %lt3A : i32
    %jit3A = arith.constant 0.000000e+00 : f32
    %broadcast_in_dim3A_33 = vector.broadcast %jit3A : f32 to vector<2560x8xf32>
    %select_n3A = arith.select %lt3A_32, %mul3A_31, %broadcast_in_dim3A_33 : vector<2560x8xf32>
    %swap3A = arith.constant 0 : index
    %swap3A_34 = arith.constant 0 : index
    %swap3A_35 = vector.load %arg7[%swap3A, %swap3A_34] : memref<2560x8xf32, #tpu.memory_space<vmem>>, vector<2560x8xf32>
    tpu.vector_store %arg7[%swap3A, %swap3A_34], %select_n3A {strides = array<i32>} : memref<2560x8xf32, #tpu.memory_space<vmem>>, vector<2560x8xf32>,
    return
  }
  func.func @transform_0(%arg0: i32) -> i32 {
    %c0_i32 = arith.constant 0 : i32
    %c0_i32_0 = arith.constant 0 : i32
    return %c0_i32 : i32
  }
  func.func @transform_1(%arg0: i32) -> (i32, i32) {
    %min3A = arith.constant 124 : i32
    %min3A_0 = arith.minsi %arg0, %min3A : i32
    %c0_i32 = arith.constant 0 : i32
    %c0_i32_1 = arith.constant 0 : i32
    return %min3A_0, %c0_i32 : i32, i32
  }
  func.func @transform_2(%arg0: i32) -> (i32, i32) {
    %min3A = arith.constant 124 : i32
    %min3A_0 = arith.minsi %arg0, %min3A : i32
    %c0_i32 = arith.constant 0 : i32
    %c0_i32_1 = arith.constant 0 : i32
    return %min3A_0, %c0_i32 : i32, i32
  }
  func.func @transform_3(%arg0: i32) -> (i32, i32) {
    %c0_i32 = arith.constant 0 : i32
    %c0_i32_0 = arith.constant 0 : i32
    %c0_i32_1 = arith.constant 0 : i32
    return %c0_i32, %c0_i32_0 : i32, i32
  }
  func.func @transform_4(%arg0: i32) -> (i32, i32) {
    %c0_i32 = arith.constant 0 : i32
    %c0_i32_0 = arith.constant 0 : i32
    %c0_i32_1 = arith.constant 0 : i32
    return %c0_i32, %c0_i32_0 : i32, i32
  }
  func.func @transform_5(%arg0: i32) -> (i32, i32) {
    %c0_i32 = arith.constant 0 : i32
    %c0_i32_0 = arith.constant 0 : i32
    %c0_i32_1 = arith.constant 0 : i32
    return %c0_i32, %c0_i32_0 : i32, i32
  }
  func.func @transform_6(%arg0: i32) -> (i32, i32) {
    %c0_i32 = arith.constant 0 : i32
    %c0_i32_0 = arith.constant 0 : i32
    return %arg0, %c0_i32 : i32, i32
  }
}

</mosaic_0001>

<sc_bundles>
// kernel: kernel.4.cloned.1.call-start
scs
__scs_entry_jumppad:
0x0: {  	(pc) =	sbr.rel $0x88, $3  }
0x1: {  	(tag) =	ssettag $0x0;
	lr =	simm.s32 $0x1  }
0x2: {  	[smem:$0x3F9A] =	sst lr;
	_ =	strace $0xD0000000  }
0x3: {  	_ = 	snop  }
0x4: {  	_ = 	snop  }
0x5: {  	_ = 	snop  }
0x6: {  	_ = 	snop  }
0x7: {  	_ = 	snop  }
__scs_overlays_trampoline_lowered:
0x8: {  	[smem:$0x3FA9] =	sst s0  }
0x9: {  	[smem:$0x3FAA] =	sst s1  }
0xa: {  	[smem:$0x3FAB] =	sst s2  }
0xb: {  	[smem:$0x3FAC] =	sst s3  }
0xc: {  	[smem:$0x3FAD] =	sst s4  }
0xd: {  	[smem:$0x3FAE] =	sst s5  }
0xe: {  	[smem:$0x3FAF] =	sst s6  }
0xf: {  	[smem:$0x3FB0] =	sst s7  }
0x10: {  	[smem:$0x3FB1] =	sst s8  }
0x11: {  	[smem:$0x3FB2] =	sst s9;
	s0 =	simm.s32 @!p0 $0x0  }
0x12: {  	s1 =	sld [smem:$0x3F98];
	s0 =	simm.s32 @p0 $0x1  }
0x13: {  	[smem:$0x3FB3] =	sst s0;
	s0 =	simm.s32 @!p1 $0x0  }
0x14: {  	s2 =	sld [smem:$0x3F97];
	s0 =	simm.s32 @p1 $0x1  }
0x15: {  	[smem:$0x3FB4] =	sst s0;
	s0 =	simm.s32 @!p2 $0x0  }
0x16: {  	s3 =	sld [smem:$0x3FDB];
	s0 =	simm.s32 @p2 $0x1  }
0x17: {  	s4 =	simm.s32 $0x1BF5;
	[smem:$0x3FB6] =	sst s0  }
0x18: {  	s0 =	sld [smem:$0x3F99];
	_ =	swait.ge [sflag:s4], $0x0  }
0x19: {  	s7 =	sld [smem:$0x3F9A]  }
0x1a: {  	s8 =	sadd.s32 $0xFFFFE003, lr  }
0x1b: {  	s9 =	sadd.s32 $0xFFFFFEF7, lr;
	s5 =	simm.s32 $0xFFFFFFFF;
	p2 =	slt.u32 s8, $0xFFFFF086  }
0x1c: {  	p1 =	slt.u32 s9, $0xF7A;
	s5 =	simm.s32 @!p2 $0x0  }
0x1d: {  	s5 =	simm.s32 @p1 $0x1;
	p0 =	seq.s32 s7, s2  }
0x1e: {  	s7 =	smul.u32 @!p0 $0xF7A, s2;
	p2 =	seq.s32 @!p0 s5, $0x0  }
0x1f: {  	s9 =	smul.u32 $0xF7A, s1;
	s8 =	simm.s32 @!p0 $0x1BF5;
	p2 =	por !p2, p0  }
0x20: {  	[sflag:s8] =	ssyncset.s32 @!p0 $0xFFFFF086;
	s6 =	sadd.s32 @!p0 s3, s7;
	s7 =	simm.s32 @!p0 $0x108  }
0x21: {  	s3 =	sadd.s32 s3, s9;
	s6 =	sadd.s32 @!p0 $0x88, s6;
	s7 =	simm.s32 @p2 $0x1082  }
0x22: {  	[simem:s7], [sflag:s8] =	dma.local @!p0 [hbm:s6], $0xF7A  }
0x23: {  	s9 =	sor.u32 $0xD0000000, s2;
	s6 =	simm.s32 $0x108;
	_ =	swait.ge @!p0 [sflag:s8], $0x0  }
0x24: {  	s3 =	sadd.s32 $0x88, s3;
	s6 =	simm.s32 @!p1 $0x1082;
	[sflag:s4] =	ssyncset.s32 $0xFFFFF086  }
0x25: {  	[simem:s6], [sflag:s4] =	dma.local [hbm:s3], $0xF7A  }
0x26: {  	[smem:$0x3F9A] =	sst s1;
	(tag) =	ssettag s2;
	_ =	strace s9  }
0x27: {  	s1 =	sld [smem:$0x3FAA]  }
0x28: {  	s2 =	sld [smem:$0x3FAB]  }
0x29: {  	s4 =	sld [smem:$0x3FAD]  }
0x2a: {  	p0 =	seq.s32 s5, $0x0;
	s5 =	sld [smem:$0x3FAE]  }
0x2b: {  	s6 =	sld [smem:$0x3FAF]  }
0x2c: {  	s7 =	sld [smem:$0x3FB0]  }
0x2d: {  	s3 =	simm.s32 $0x108;
	s8 =	sld [smem:$0x3FB1]  }
0x2e: {  	s3 =	simm.s32 @!p0 $0x1082;
	s9 =	sld [smem:$0x3FB2]  }
0x2f: {  	lr =	sadd.s32 s0, s3;
	s0 =	sld [smem:$0x3FA9]  }
0x30: {  	s3 =	sld [smem:$0x3FAC]  }
0x31: {  	[smem:$0x3FB5] =	sst s10  }
0x32: {  	s10 =	sld [smem:$0x3FB3];
	_ =	sdelay $0x3  }
0x33: {  	p0 =	seq.s32 s10, $0x1;
	s10 =	sld [smem:$0x3FB5];
	_ =	sdelay $0x3  }
0x34: {  	[smem:$0x3FB5] =	sst s10  }
0x35: {  	s10 =	sld [smem:$0x3FB4];
	_ =	sdelay $0x3  }
0x36: {  	p1 =	seq.s32 s10, $0x1;
	s10 =	sld [smem:$0x3FB5];
	_ =	sdelay $0x3  }
0x37: {  	[smem:$0x3FB5] =	sst s10  }
0x38: {  	s10 =	sld [smem:$0x3FB6]  }
0x39: {  	_ = 	snop;
	(pc) =	sbr.ind lr, $3  }
0x3a: {  	_ = 	snop  }
0x3b: {  	_ = 	snop  }
0x3c: {  	p2 =	seq.s32 s10, $0x1;
	s10 =	sld [smem:$0x3FB5]  }
0x3d: {  	_ =	shalt  }
0x3e: {  	_ =	shalt  }
0x3f: {  	_ =	shalt  }
0x40: {  	_ =	shalt  }
0x41: {  	_ =	shalt  }
0x42: {  	_ =	shalt  }
0x43: {  	_ =	shalt  }
0x44: {  	_ =	shalt  }
0x45: {  	_ =	shalt  }
0x46: {  	_ =	shalt  }
0x47: {  	_ =	shalt  }
0x48: {  	_ =	shalt  }
0x49: {  	_ =	shalt  }
0x4a: {  	_ =	shalt  }
0x4b: {  	_ =	shalt  }
0x4c: {  	_ =	shalt  }
0x4d: {  	_ =	shalt  }
0x4e: {  	_ =	shalt  }
0x4f: {  	_ =	shalt  }
0x50: {  	_ =	shalt  }
0x51: {  	_ =	shalt  }
0x52: {  	_ =	shalt  }
0x53: {  	_ =	shalt  }
0x54: {  	_ =	shalt  }
0x55: {  	_ =	shalt  }
0x56: {  	_ =	shalt  }
0x57: {  	_ =	shalt  }
0x58: {  	_ =	shalt  }
0x59: {  	_ =	shalt  }
0x5a: {  	_ =	shalt  }
0x5b: {  	_ =	shalt  }
0x5c: {  	_ =	shalt  }
0x5d: {  	_ =	shalt  }
0x5e: {  	_ =	shalt  }
0x5f: {  	_ =	shalt  }
0x60: {  	_ =	shalt  }
0x61: {  	_ =	shalt  }
0x62: {  	_ =	shalt  }
0x63: {  	_ =	shalt  }
0x64: {  	_ =	shalt  }
0x65: {  	_ =	shalt  }
0x66: {  	_ =	shalt  }
0x67: {  	_ =	shalt  }
0x68: {  	_ =	shalt  }
0x69: {  	_ =	shalt  }
0x6a: {  	_ =	shalt  }
0x6b: {  	_ =	shalt  }
0x6c: {  	_ =	shalt  }
0x6d: {  	_ =	shalt  }
0x6e: {  	_ =	shalt  }
0x6f: {  	_ =	shalt  }
0x70: {  	_ =	shalt  }
0x71: {  	_ =	shalt  }
0x72: {  	_ =	shalt  }
0x73: {  	_ =	shalt  }
0x74: {  	_ =	shalt  }
0x75: {  	_ =	shalt  }
0x76: {  	_ =	shalt  }
0x77: {  	_ =	shalt  }
0x78: {  	_ =	shalt  }
0x79: {  	_ =	shalt  }
0x7a: {  	_ =	shalt  }
0x7b: {  	_ =	shalt  }
0x7c: {  	_ =	shalt  }
0x7d: {  	_ =	shalt  }
0x7e: {  	_ =	shalt  }
0x7f: {  	_ =	shalt  }
0x80: {  	_ =	shalt  }
0x81: {  	_ =	shalt  }
0x82: {  	_ =	shalt  }
0x83: {  	_ =	shalt  }
0x84: {  	_ =	shalt  }
0x85: {  	_ =	shalt  }
0x86: {  	_ =	shalt  }
0x87: {  	_ =	shalt  }
.Lfunc_end0:
.L_simem_size_0:
called_computation_lowered:
.L_overlay_start_0:
0x88: {  	s2 =	sld [smem:$0x3FD9]  }
0x89: {  	s3 =	sld [smem:$0x3FFE];
	_ =	sdelay $0x1  }
0x8a: {  	s1 =	srdreg.scid  }
0x8b: {  	s0 =	sand.u32 $0x1, s1  }
0x8c: {  	s16 =	sshll.u32 s0, $0xA;
	s2 =	sadd.s32 s3, s2  }
0x8d: {  	s2 =	sadd.s32 s2, s16  }
0x8e: {  	[smem:$0x3FC1] =	sst s2  }
0x8f: {  	_ = 	snop  }
0x90: {  	(tm) =	ssettm $0x1  }
0x91: {  	s17 =	sld [smem:$0x3FFB];
	_ =	sdelay $0x3  }
0x92: {  	_ =	strace s17  }
0x93: {  	s2 =	sld [smem:$0x3FFC];
	_ =	sdelay $0x3  }
0x94: {  	_ =	strace s2  }
0x95: {  	s2 =	sld [smem:$0x3FFD];
	_ =	sdelay $0x3  }
0x96: {  	_ =	strace s2  }
0x97: {  	_ =	strace $0x8FFFFFFF  }
0x98: {  	s18 =	sld [smem:$0x3FDB];
	_ =	sdelay $0x1  }
0x99: {  	s19 =	simm.s32 $_scs_section_size  }
0x9a: {  	s4 =	simm.s32 $_size__tile_overlayer_lowered;
	s5 =	simm.s32 $_tile_overlayer_lowered  }
0x9b: {  	s22 =	simm.s32 $0x1BFF;
	s21 =	sshll.u32 s5, $0x1;
	s2 =	sadd.s32 s19, s18  }
0x9c: {  	s6 =	simm.s32 $0x0;
	s20 =	sshll.u32 s4, $0x1;
	s4 =	sadd.s32 s21, s2  }
0x9d: {  	[timem:s6], [sflag:s22] =	dma.local [hbm:s4], s20  }
0x9e: {  	_ =	swait.ge [sflag:s22], s20  }
0x9f: {  	s3 =	ssub.s32 $0x0, s20;
	[sflag:s22] =	ssyncset.done $0x0  }
0xa0: {  	[sflag:s22] =	ssyncadd.s32 s3;
	_ =	sdelay $0x1  }
0xa1: {  	s23 =	simm.s32 $0x1B8B  }
0xa2: {  	_ =	swait.ge [sflag:s23], $0x1  }
0xa3: {  	[sflag:s23] =	ssyncset.done $0x0  }
0xa4: {  	s25 =	simm.s32 $0x1B8E;
	s24 =	sld [smem:$0x3FFE];
	[sflag:s23] =	ssyncadd.s32 $0xFFFFFFFF  }
0xa5: {  	s26 =	simm.s32 $execute0_lowered;
	[smem:$0x3FD2] =	sst s25  }
0xa6: {  	s4 =	sshll.u32 s26, $0x1;
	_ =	strace $0x80000046;
	[dreg:$0x1] =	wrdreg $0xFFFFFFFF  }
0xa7: {  	s28 =	simm.s32 $_size_execute0_lowered;
	s2 =	sadd.s32 s2, s4;
	[dreg:$0x0] =	wrdreg $0x0  }
0xa8: {  	s4 =	sshll.u32 s28, $0x1;
	[dreg:$0x2] =	wrdreg s2  }
0xa9: {  	[dreg:$0x3] =	wrdreg s4  }
0xaa: {  	[dreg:$0x4] =	wrdreg $0xC0  }
0xab: {  	_ =	task [dreg:s6], $0x5FFFF  }
0xac: {  	[dreg:$0x1] =	wrdreg $0xFFFFFFFF  }
0xad: {  	[dreg:$0x0] =	wrdreg $0x60  }
0xae: {  	[dreg:$0x2] =	wrdreg s24  }
0xaf: {  	[dreg:$0x3] =	wrdreg $0x168000  }
0xb0: {  	[dreg:$0x4] =	wrdreg $0x9  }
0xb1: {  	_ =	task.clear_ibuf [dreg:s6], $0x5FFFF;
	_ =	strace $0x90000046  }
0xb2: {  	s29 =	simm.s32 $0x9;
	_ =	strace $0x80000048  }
0xb3: {  	_ =	swait.ge [sflag:s29], $0x1  }
0xb4: {  	[sflag:s29] =	ssyncadd.s32 $0xFFFFFFFF  }
0xb5: {  	_ =	strace $0x90000048  }
0xb6: {  	_ =	sfence  }
0xb7: {  	s30 =	sld [smem:$0x0];
	_ =	sdelay $0x2  }
0xb8: {  	s31 =	sshll.u32 s1, $0xD;
	s1 =	sshrl.u32 s1, $0x2  }
0xb9: {  	s3 =	sand.u32 $0x4000, s31;
	s1 =	sadd.s32 s1, s30  }
0xba: {  	s0 =	sor.u32 s3, s0;
	s1 =	sshll.u32 s1, $0x11  }
0xbb: {  	s0 =	sor.u32 s1, s0  }
0xbc: {  	s0 =	sadd.s32 $0x8F2B, s0  }
0xbd: {  	[sflag:s0] =	ssyncadd.remote.s32 $0x1  }
0xbe: {  	_ =	sfence.sel $0xFFFF  }
0xbf: {  	[dreg:$0x0] =	wrdreg $0xFFFFFFFF;
	(pc) =	sbr.abs _section_cstart, $3  }
0xc0: {  	[dreg:$0x1] =	wrdreg $0xFFFFFFFF  }
0xc1: {  	_ =	task.clear_ibuf [dreg:s6], $0x2FFFF;
	_ =	strace $0x9FFFFFFF  }
0xc2: {  	(tm) =	ssettm $0x7FFFFFFF  }
0xc3: {  	_ =	shalt  }
tec
execute0_lowered:
.L_overlay_start_1:
0x0: {  	(tag) =	ssettag $0x1  }
0x1: {  	s0 =	srdreg.scid;
	s4 =	rddreg [dreg:$0x0]  }
0x2: {  	s1 =	rddreg [dreg:$0x1];
	s7 =	stileid.u32  }
0x3: {  	s2 =	simm.s32 $0x0;
	s11 =	simm.s32 $0x1;
	s3 =	sand.u32 $0x1, s0  }
0x4: {  	s12 =	simm.s32 $0x0;
	s0 =	rddreg [dreg:$0x2];
	s5 =	sshll.u32 s3, $0x4  }
0x5: {  	[smem:$0x7FF] =	sst s2;
	s8 =	smul.u32 $0x2710, s3;
	s5 =	sor.u32 s7, s5  }
0x6: {  	p0 =	sne.s32 s7, $0x0;
	s9 =	ssub.s32 $0x2, s3;
	s6 =	smul.u32 $0x2800, s5  }
0x7: {  	_ =	strace $0x80000047;
	s10 =	sshrl.u32 s9, $0x1;
	s5 =	smul.u32 $0x500, s5  }
0x8: {  	s3 =	sadd.s32 $0x5AC00, s4;
	s8 =	sadd.s32 s8, s4;
	s9 =	ssub.s32 s9, s10  }
0x9: {  	s10 =	simm.s32 $0x80;
	s7 =	smax.u32 s9, $0x1;
	s5 =	sadd.s32 s5, s4  }
0xa: {  	s9 =	simm.s32 $0x2;
	s6 =	sadd.s32 s6, s4;
	s4 =	sadd.s32 $0x50C00, s5  }
0xb: {  	s5 =	sadd.s32 $0xC00, s6;
	s6 =	sadd.s32 $0x5D400, s8;
	s8 =	sshrl.u32 @!p0 s1, $0x3  }
.LBB2_1:
0xc: {  	s13 =	simm.s32 @!p0 $0x1C02  }
0xd: {  	[spmem:s8], [sflag:s13] =	dma.local @!p0 [hbm:s3], $0x2710  }
0xe: {  	s13 =	simm.s32 @!p0 $0x2  }
0xf: {  	_ =	swait.ge @!p0 [sflag:s13], $0x2710  }
0x10: {  	[sflag:s13] =	ssyncset.done @!p0 $0x0  }
0x11: {  	[sflag:s13] =	ssyncadd.s32 @!p0 $0xFFFFD8F0  }
0x12: {  	[tilespmem:s2], [sflag:$0x2] =	stream.linear.gather [hbm4b:s4+s2], $0x2800, $0x38;
	[tilespmem:$0x17B88] =	vst v63  }
0x13: {  	_ =	swait.ge [sflag:s9], $0x2800  }
0x14: {  	[sflag:s9] =	ssyncset.done $0x0  }
0x15: {  	s16 =	simm.s32 $0x2800;
	[sflag:s9] =	ssyncadd.s32 $0xFFFFD800  }
0x16: {  	[tilespmem:s16], [sflag:$0x2] =	stream.linear.gather [hbm4b:s5+s2], $0x14000, $0x38;
	[tilespmem:$0x17B88] =	vst v63  }
0x17: {  	_ =	swait.ge [sflag:s9], $0x14000  }
0x18: {  	[sflag:s9] =	ssyncset.done $0x0  }
0x19: {  	[sflag:s9] =	ssyncadd.s32 $0xFFFEC000  }
0x1a: {  	s14 =	simm.s32 $0x0;
	[bflag:$0x0] =	sbarrier.arrive $0xFFFF  }
0x1b: {  	[spmem:s1] =	stream.indirect.scatter.add.f32 [tilespmem:s16], [sflag:$0x1], $0x8, s14, s10, $0xb8;
	[tilespmem:$0x17B88] =	vst v63  }
0x1c: {  	s17 =	simm.s32 $0x2C00;
	s18 =	simm.s32 $0x80  }
0x1d: {  	[spmem:s1] =	stream.indirect.scatter.add.f32 [tilespmem:s17], [sflag:$0x1], $0x8, s18, s10, $0xb8;
	[tilespmem:$0x17B88] =	vst v63  }
0x1e: {  	s19 =	simm.s32 $0x3000;
	s20 =	simm.s32 $0x100  }
0x1f: {  	[spmem:s1] =	stream.indirect.scatter.add.f32 [tilespmem:s19], [sflag:$0x1], $0x8, s20, s10, $0xb8;
	[tilespmem:$0x17B88] =	vst v63  }
0x20: {  	s21 =	simm.s32 $0x3400;
	s22 =	simm.s32 $0x180  }
0x21: {  	[spmem:s1] =	stream.indirect.scatter.add.f32 [tilespmem:s21], [sflag:$0x1], $0x8, s22, s10, $0xb8;
	[tilespmem:$0x17B88] =	vst v63  }
0x22: {  	s23 =	simm.s32 $0x3800;
	s24 =	simm.s32 $0x200  }
0x23: {  	[spmem:s1] =	stream.indirect.scatter.add.f32 [tilespmem:s23], [sflag:$0x1], $0x8, s24, s10, $0xb8;
	[tilespmem:$0x17B88] =	vst v63  }
0x24: {  	s25 =	simm.s32 $0x3C00;
	s26 =	simm.s32 $0x280  }
0x25: {  	[spmem:s1] =	stream.indirect.scatter.add.f32 [tilespmem:s25], [sflag:$0x1], $0x8, s26, s10, $0xb8;
	[tilespmem:$0x17B88] =	vst v63  }
0x26: {  	s28 =	simm.s32 $0x4000;
	s29 =	simm.s32 $0x300  }
0x27: {  	[spmem:s1] =	stream.indirect.scatter.add.f32 [tilespmem:s28], [sflag:$0x1], $0x8, s29, s10, $0xb8;
	[tilespmem:$0x17B88] =	vst v63  }
0x28: {  	s30 =	simm.s32 $0x4400;
	s31 =	simm.s32 $0x380  }
0x29: {  	[spmem:s1] =	stream.indirect.scatter.add.f32 [tilespmem:s30], [sflag:$0x1], $0x8, s31, s10, $0xb8;
	[tilespmem:$0x17B88] =	vst v63  }
0x2a: {  	_ =	swait.ge [sflag:s11], $0x400  }
0x2b: {  	[sflag:s11] =	ssyncset.done $0x0  }
0x2c: {  	[sflag:s11] =	ssyncadd.s32 $0xFFFFFC00  }
0x2d: {  	_ =	swait.ge [sflag:s11], $0x400  }
0x2e: {  	[sflag:s11] =	ssyncset.done $0x0  }
0x2f: {  	[sflag:s11] =	ssyncadd.s32 $0xFFFFFC00  }
0x30: {  	_ =	swait.ge [sflag:s11], $0x400  }
0x31: {  	[sflag:s11] =	ssyncset.done $0x0  }
0x32: {  	[sflag:s11] =	ssyncadd.s32 $0xFFFFFC00  }
0x33: {  	_ =	swait.ge [sflag:s11], $0x400  }
0x34: {  	[sflag:s11] =	ssyncset.done $0x0  }
0x35: {  	[sflag:s11] =	ssyncadd.s32 $0xFFFFFC00  }
0x36: {  	_ =	swait.ge [sflag:s11], $0x400  }
0x37: {  	[sflag:s11] =	ssyncset.done $0x0  }
0x38: {  	[sflag:s11] =	ssyncadd.s32 $0xFFFFFC00  }
0x39: {  	_ =	swait.ge [sflag:s11], $0x400  }
0x3a: {  	[sflag:s11] =	ssyncset.done $0x0  }
0x3b: {  	[sflag:s11] =	ssyncadd.s32 $0xFFFFFC00  }
0x3c: {  	_ =	swait.ge [sflag:s11], $0x400  }
0x3d: {  	[sflag:s11] =	ssyncset.done $0x0  }
0x3e: {  	[sflag:s11] =	ssyncadd.s32 $0xFFFFFC00  }
0x3f: {  	s13 =	simm.s32 $0x4800;
	_ =	swait.ge [sflag:s11], $0x400  }
0x40: {  	s14 =	simm.s32 $0x1000;
	s16 =	simm.s32 $0x2000;
	[sflag:s11] =	ssyncset.done $0x0  }
.LBB2_2:
0x41: {  	s17 =	sshra.s32 s14, $0x2  }
0x42: {  	[sflag:s11] =	ssyncadd.s32 $0xFFFFFC00;
	s14 =	smov.u32 s16;
	s15 =	sadd.s32 $0x1000, s16  }
0x43: {  	[spmem:s1] =	stream.indirect.scatter.add.f32 [tilespmem:s13], [sflag:$0x1], $0x8, s17, s10, $0xb8;
	[tilespmem:$0x17B88] =	vst v63  }
0x44: {  	p1 =	sne.s32 s16, $0x9000;
	s16 =	sadd.s32 $0x400, s13;
	s18 =	sadd.s32 $0x80, s17  }
0x45: {  	[spmem:s1] =	stream.indirect.scatter.add.f32 [tilespmem:s16], [sflag:$0x1], $0x8, s18, s10, $0xb8;
	[tilespmem:$0x17B88] =	vst v63  }
0x46: {  	s16 =	sadd.s32 $0x800, s13;
	s18 =	sadd.s32 $0x100, s17  }
0x47: {  	[spmem:s1] =	stream.indirect.scatter.add.f32 [tilespmem:s16], [sflag:$0x1], $0x8, s18, s10, $0xb8;
	[tilespmem:$0x17B88] =	vst v63  }
0x48: {  	s16 =	sadd.s32 $0xC00, s13;
	s18 =	sadd.s32 $0x180, s17  }
0x49: {  	[spmem:s1] =	stream.indirect.scatter.add.f32 [tilespmem:s16], [sflag:$0x1], $0x8, s18, s10, $0xb8;
	[tilespmem:$0x17B88] =	vst v63  }
0x4a: {  	s16 =	sadd.s32 $0x1000, s13;
	s18 =	sadd.s32 $0x200, s17  }
0x4b: {  	[spmem:s1] =	stream.indirect.scatter.add.f32 [tilespmem:s16], [sflag:$0x1], $0x8, s18, s10, $0xb8;
	[tilespmem:$0x17B88] =	vst v63  }
0x4c: {  	s16 =	sadd.s32 $0x1400, s13;
	s18 =	sadd.s32 $0x280, s17  }
0x4d: {  	[spmem:s1] =	stream.indirect.scatter.add.f32 [tilespmem:s16], [sflag:$0x1], $0x8, s18, s10, $0xb8;
	[tilespmem:$0x17B88] =	vst v63  }
0x4e: {  	s16 =	sadd.s32 $0x1800, s13;
	s18 =	sadd.s32 $0x300, s17  }
0x4f: {  	[spmem:s1] =	stream.indirect.scatter.add.f32 [tilespmem:s16], [sflag:$0x1], $0x8, s18, s10, $0xb8;
	[tilespmem:$0x17B88] =	vst v63  }
0x50: {  	s17 =	sadd.s32 $0x380, s17;
	s16 =	sadd.s32 $0x1C00, s13  }
0x51: {  	[spmem:s1] =	stream.indirect.scatter.add.f32 [tilespmem:s16], [sflag:$0x1], $0x8, s17, s10, $0xb8;
	[tilespmem:$0x17B88] =	vst v63  }
0x52: {  	_ =	swait.ge [sflag:s11], $0x400  }
0x53: {  	[sflag:s11] =	ssyncset.done $0x0  }
0x54: {  	[sflag:s11] =	ssyncadd.s32 $0xFFFFFC00  }
0x55: {  	_ =	swait.ge [sflag:s11], $0x400  }
0x56: {  	[sflag:s11] =	ssyncset.done $0x0  }
0x57: {  	[sflag:s11] =	ssyncadd.s32 $0xFFFFFC00  }
0x58: {  	_ =	swait.ge [sflag:s11], $0x400  }
0x59: {  	[sflag:s11] =	ssyncset.done $0x0  }
0x5a: {  	[sflag:s11] =	ssyncadd.s32 $0xFFFFFC00  }
0x5b: {  	_ =	swait.ge [sflag:s11], $0x400  }
0x5c: {  	[sflag:s11] =	ssyncset.done $0x0  }
0x5d: {  	[sflag:s11] =	ssyncadd.s32 $0xFFFFFC00  }
0x5e: {  	_ =	swait.ge [sflag:s11], $0x400  }
0x5f: {  	[sflag:s11] =	ssyncset.done $0x0  }
0x60: {  	[sflag:s11] =	ssyncadd.s32 $0xFFFFFC00  }
0x61: {  	_ =	swait.ge [sflag:s11], $0x400  }
0x62: {  	[sflag:s11] =	ssyncset.done $0x0  }
0x63: {  	[sflag:s11] =	ssyncadd.s32 $0xFFFFFC00  }
.Ltmp0:
0x64: {  	_ =	swait.ge [sflag:s11], $0x400;
	(pc) =	sbr.rel @p1 .LBB2_2-.Ltmp0, $4  }
0x65: {  	[sflag:s11] =	ssyncset.done $0x0  }
0x66: {  	[sflag:s11] =	ssyncadd.s32 $0xFFFFFC00  }
0x67: {  	_ =	swait.ge [sflag:s11], $0x400  }
0x68: {  	s13 =	sadd.s32 $0x2000, s13;
	s16 =	smov.u32 s15;
	[sflag:s11] =	ssyncset.done $0x0  }
0x69: {  	s14 =	sshra.s32 s14, $0x2;
	[sflag:s11] =	ssyncadd.s32 $0xFFFFFC00  }
0x6a: {  	[spmem:s1] =	stream.indirect.scatter.add.f32 [tilespmem:s13], [sflag:$0x1], $0x8, s14, s10, $0xb8;
	[tilespmem:$0x17B88] =	vst v63  }
0x6b: {  	s15 =	sadd.s32 $0x400, s13;
	s16 =	sadd.s32 $0x80, s14  }
0x6c: {  	[spmem:s1] =	stream.indirect.scatter.add.f32 [tilespmem:s15], [sflag:$0x1], $0x8, s16, s10, $0xb8;
	[tilespmem:$0x17B88] =	vst v63  }
0x6d: {  	s20 =	sadd.s32 $0x800, s13;
	s21 =	sadd.s32 $0x100, s14  }
0x6e: {  	[spmem:s1] =	stream.indirect.scatter.add.f32 [tilespmem:s20], [sflag:$0x1], $0x8, s21, s10, $0xb8;
	[tilespmem:$0x17B88] =	vst v63  }
0x6f: {  	s22 =	sadd.s32 $0xC00, s13;
	s23 =	sadd.s32 $0x180, s14  }
0x70: {  	[spmem:s1] =	stream.indirect.scatter.add.f32 [tilespmem:s22], [sflag:$0x1], $0x8, s23, s10, $0xb8;
	[tilespmem:$0x17B88] =	vst v63  }
0x71: {  	s24 =	sadd.s32 $0x1000, s13;
	s25 =	sadd.s32 $0x200, s14  }
0x72: {  	[spmem:s1] =	stream.indirect.scatter.add.f32 [tilespmem:s24], [sflag:$0x1], $0x8, s25, s10, $0xb8;
	[tilespmem:$0x17B88] =	vst v63  }
0x73: {  	s26 =	sadd.s32 $0x1400, s13;
	s28 =	sadd.s32 $0x280, s14  }
0x74: {  	[spmem:s1] =	stream.indirect.scatter.add.f32 [tilespmem:s26], [sflag:$0x1], $0x8, s28, s10, $0xb8;
	[tilespmem:$0x17B88] =	vst v63  }
0x75: {  	s29 =	sadd.s32 $0x1800, s13;
	s30 =	sadd.s32 $0x300, s14  }
0x76: {  	[spmem:s1] =	stream.indirect.scatter.add.f32 [tilespmem:s29], [sflag:$0x1], $0x8, s30, s10, $0xb8;
	[tilespmem:$0x17B88] =	vst v63  }
0x77: {  	s31 =	sadd.s32 $0x1C00, s13;
	s14 =	sadd.s32 $0x380, s14  }
0x78: {  	[spmem:s1] =	stream.indirect.scatter.add.f32 [tilespmem:s31], [sflag:$0x1], $0x8, s14, s10, $0xb8;
	[tilespmem:$0x17B88] =	vst v63  }
0x79: {  	_ =	swait.ge [sflag:s11], $0x400  }
0x7a: {  	[sflag:s11] =	ssyncset.done $0x0  }
0x7b: {  	[sflag:s11] =	ssyncadd.s32 $0xFFFFFC00  }
0x7c: {  	_ =	swait.ge [sflag:s11], $0x400  }
0x7d: {  	[sflag:s11] =	ssyncset.done $0x0  }
0x7e: {  	[sflag:s11] =	ssyncadd.s32 $0xFFFFFC00  }
0x7f: {  	_ =	swait.ge [sflag:s11], $0x400  }
0x80: {  	[sflag:s11] =	ssyncset.done $0x0  }
0x81: {  	[sflag:s11] =	ssyncadd.s32 $0xFFFFFC00  }
0x82: {  	_ =	swait.ge [sflag:s11], $0x400  }
0x83: {  	[sflag:s11] =	ssyncset.done $0x0  }
0x84: {  	[sflag:s11] =	ssyncadd.s32 $0xFFFFFC00  }
0x85: {  	_ =	swait.ge [sflag:s11], $0x400  }
0x86: {  	[sflag:s11] =	ssyncset.done $0x0  }
0x87: {  	[sflag:s11] =	ssyncadd.s32 $0xFFFFFC00  }
0x88: {  	_ =	swait.ge [sflag:s11], $0x400  }
0x89: {  	[sflag:s11] =	ssyncset.done $0x0  }
0x8a: {  	[sflag:s11] =	ssyncadd.s32 $0xFFFFFC00  }
0x8b: {  	_ =	swait.ge [sflag:s11], $0x400  }
0x8c: {  	[sflag:s11] =	ssyncset.done $0x0  }
0x8d: {  	[sflag:s11] =	ssyncadd.s32 $0xFFFFFC00  }
0x8e: {  	_ =	swait.ge [sflag:s11], $0x400  }
0x8f: {  	[sflag:s11] =	ssyncset.done $0x0  }
0x90: {  	s12 =	sadd.s32 $0x1, s12;
	[sflag:s11] =	ssyncadd.s32 $0xFFFFFC00  }
0x91: {  	s13 =	simm.s32 @!p0 $0x1C02;
	p1 =	sne.s32 s12, s7;
	[bflag:$0x0] =	sbarrier.arrive $0xFFFF  }
0x92: {  	[hbm:s6], [sflag:s13] =	dma.local @!p0 [spmem:s8], $0x2710  }
.Ltmp1:
0x93: {  	_ = 	snop;
	(pc) =	sbr.rel @p1 .LBB2_1-.Ltmp1, $4  }
0x94: {  	s13 =	simm.s32 @!p0 $0x2  }
0x95: {  	_ =	swait.ge @!p0 [sflag:s13], $0x2710  }
0x96: {  	[sflag:s13] =	ssyncset.done @!p0 $0x0  }
0x97: {  	[sflag:s13] =	ssyncadd.s32 @!p0 $0xFFFFD8F0  }
0x98: {  	_ =	sfence.sel $0x180000  }
0x99: {  	[bflag:$0x0] =	sbarrier.arrive $0xFFFF  }
0x9a: {  	_ =	strace $0x90000047  }
0x9b: {  	s0 =	sadd.s32 @!p0 $0x100000, s0;
	[bflag:$0x2] =	sbarrier.arrive $0xFFFF  }
0x9c: {  	[sflag:s0] =	ssyncadd.tile.s32 @!p0 $0x1;
	_ =	shalt  }
.Lfunc_end2:
_tile_overlayer_lowered:
.L_overlay_start_2:
0x9d: {  	(tag) =	ssettag $0x2  }
0x9e: {  	s0 =	rddreg [dreg:$0x0];
	s2 =	stileid.u32  }
0x9f: {  	s1 =	rddreg [dreg:$0x1];
	p0 =	sne.s32 s2, $0x0  }
0xa0: {  	s3 =	rddreg [dreg:$0x2];
	[bflag:$0x3] =	sbarrier.arrive $0xFFFF;
	s2 =	simm.s32 @!p0 $0x1C02  }
0xa1: {  	[timem:s3], [sflag:s2] =	dma.local @!p0 [hbm:s0], s1  }
0xa2: {  	s0 =	simm.s32 @!p0 $0x2  }
0xa3: {  	_ =	swait.ge @!p0 [sflag:s0], s1  }
0xa4: {  	s1 =	ssub.s32 @!p0 $0x0, s1;
	[sflag:s0] =	ssyncset.done @!p0 $0x0  }
0xa5: {  	[sflag:s0] =	ssyncadd.s32 @!p0 s1  }
0xa6: {  	[bflag:$0x3] =	sbarrier.arrive $0xFFFF  }
0xa7: {  	_ =	shalt  }

</sc_bundles>
